<compile_context>
chip_gen: v7x
topology: tpu7x:2x2x1
jax: 0.10.2.dev20260603
libtpu: 0.0.44.dev20260713+nightly
codegen_flags: <defaults>
</compile_context>

<pallas_src>
import jax
import jax.numpy as jnp
from jax import lax
from jax.experimental import pallas as pl
from jax.experimental.pallas import tpu as pltpu
from jax.experimental.pallas import tpu_sc as plsc

_EMBED_DIM = 128
_NUM_CORES = 2
_NUM_SUBCORES = 16
_NUM_WORKERS = _NUM_CORES * _NUM_SUBCORES
_CHUNK = 128


def kernel(batch, src_weight, dst_weight):
    batch = batch.astype(jnp.int32)
    n = batch.shape[0]
    per_w = n // _NUM_WORKERS
    n_chunks = per_w // _CHUNK
    out_sd = jax.ShapeDtypeStruct((n, _EMBED_DIM), src_weight.dtype)

    mesh = plsc.VectorSubcoreMesh(core_axis_name="c", subcore_axis_name="s")

    n_buf = 6
    lookahead = 5

    @jax.jit
    @pl.kernel(
        out_type=(out_sd, out_sd),
        mesh=mesh,
        scratch_types=(
            [pltpu.VMEM((per_w,), jnp.int32)]
            + [pltpu.VMEM((_CHUNK, _EMBED_DIM), jnp.float32) for _ in range(n_buf)]
            + [pltpu.SemaphoreType.DMA for _ in range(2 * n_buf)]
        ),
    )
    def gather2(src_hbm, dst_hbm, i_hbm, o_src_hbm, o_dst_hbm, idx_v, *scratch):
        bufs = scratch[:n_buf]
        gsems = scratch[n_buf:2 * n_buf]
        wsems = scratch[2 * n_buf:]
        wid = lax.axis_index("s") * _NUM_CORES + lax.axis_index("c")
        base = wid * per_w
        pltpu.sync_copy(i_hbm.at[pl.ds(base, per_w)], idx_v)

        tables = (src_hbm, dst_hbm)
        outs = (o_src_hbm, o_dst_hbm)

        gathers = {}
        writebacks = {}
        n_work = 2 * n_chunks
        for step in range(n_work + lookahead):
            w = step
            if w < n_work:
                t, c = divmod(w, n_chunks)
                b = w % n_buf
                if w >= n_buf:
                    writebacks[w - n_buf].wait()
                idx_slice = idx_v.at[pl.ds(c * _CHUNK, _CHUNK)]
                gathers[w] = pltpu.async_copy(
                    tables[t].at[idx_slice], bufs[b], gsems[b]
                )
            v = step - lookahead
            if v >= 0:
                t, c = divmod(v, n_chunks)
                b = v % n_buf
                gathers[v].wait()
                writebacks[v] = pltpu.async_copy(
                    bufs[b], outs[t].at[pl.ds(base + c * _CHUNK, _CHUNK)], wsems[b]
                )
        for v in range(n_work - n_buf, n_work):
            if v >= 0:
                writebacks[v].wait()

    return gather2(src_weight, dst_weight, batch)

# --- scband reference (transcript-rebuilt; emitter-appended) ---
"""Pipeline reference for scband-reachnes-rw-83408264888597 (READ-ONLY COPY).

The authoritative reference and input builder live on the scoring server;
editing this copy changes nothing except your own understanding.
"""

import jax, jax.numpy as jnp
import numpy as np

NUM_NODES = 100000
EMBED_DIM = 128
BATCH = 16384


def setup_inputs(seed: int = 0) -> dict:
    key = jax.random.key(seed)
    k_batch, k_src, k_dst = jax.random.split(key, 3)
    batch = jax.random.randint(k_batch, (BATCH,), 0, NUM_NODES, dtype=jnp.int64 if jax.config.jax_enable_x64 else jnp.int32)
    # Embedding tables initialized like torch.nn.Embedding (N(0,1))
    src_weight = jax.random.normal(k_src, (NUM_NODES, EMBED_DIM), dtype=jnp.float32)
    dst_weight = jax.random.normal(k_dst, (NUM_NODES, EMBED_DIM), dtype=jnp.float32)
    return {"batch": batch, "src_weight": src_weight, "dst_weight": dst_weight}


def reference(batch, src_weight, dst_weight):
    # ReachnesRW.forward: src_embs = src_embeddings(batch); dst_embs = dst_embeddings(batch)
    src_embs = jnp.take(src_weight, batch, axis=0)
    dst_embs = jnp.take(dst_weight, batch, axis=0)
    return (src_embs, dst_embs)

if __name__ == "__main__":
    import jax
    _d = setup_inputs()
    print(jax.jit(kernel)(*tuple(_d.values())))

</pallas_src>

<mosaic_0001>
#map = affine_map<(d0, d1) -> (0, 0)>
#map1 = affine_map<(d0, d1) -> (0)>
module attributes {stable_mosaic.version = 14 : i64} {
  func.func @gather2(%arg0: i32, %arg1: i32, %arg2: memref<100000x128xf32, #tpu.memory_space<hbm>>, %arg3: memref<100000x128xf32, #tpu.memory_space<hbm>>, %arg4: memref<16384xi32, #tpu.memory_space<hbm>>, %arg5: memref<16384x128xf32, #tpu.memory_space<hbm>>, %arg6: memref<16384x128xf32, #tpu.memory_space<hbm>>, %arg7: memref<512xi32, #tpu.memory_space<vmem>>, %arg8: memref<128x128xf32, #tpu.memory_space<vmem>>, %arg9: memref<128x128xf32, #tpu.memory_space<vmem>>, %arg10: memref<128x128xf32, #tpu.memory_space<vmem>>, %arg11: memref<128x128xf32, #tpu.memory_space<vmem>>, %arg12: memref<128x128xf32, #tpu.memory_space<vmem>>, %arg13: memref<128x128xf32, #tpu.memory_space<vmem>>, %arg14: memref<!tpu.dma_semaphore, #tpu.memory_space<semaphore_mem>>, %arg15: memref<!tpu.dma_semaphore, #tpu.memory_space<semaphore_mem>>, %arg16: memref<!tpu.dma_semaphore, #tpu.memory_space<semaphore_mem>>, %arg17: memref<!tpu.dma_semaphore, #tpu.memory_space<semaphore_mem>>, %arg18: memref<!tpu.dma_semaphore, #tpu.memory_space<semaphore_mem>>, %arg19: memref<!tpu.dma_semaphore, #tpu.memory_space<semaphore_mem>>, %arg20: memref<!tpu.dma_semaphore, #tpu.memory_space<semaphore_mem>>, %arg21: memref<!tpu.dma_semaphore, #tpu.memory_space<semaphore_mem>>, %arg22: memref<!tpu.dma_semaphore, #tpu.memory_space<semaphore_mem>>, %arg23: memref<!tpu.dma_semaphore, #tpu.memory_space<semaphore_mem>>, %arg24: memref<!tpu.dma_semaphore, #tpu.memory_space<semaphore_mem>>, %arg25: memref<!tpu.dma_semaphore, #tpu.memory_space<semaphore_mem>>) attributes {dimension_semantics = [#tpu.dimension_semantics<core_parallel>, #tpu.dimension_semantics<subcore_parallel>], iteration_bounds = array<i64: 2, 16>, scalar_prefetch = 0 : i64, scratch_operands = 19 : i64, tpu.core_type = #tpu.core_type<sc_vector_subcore>, window_params = [{transform_indices = #map}, {transform_indices = #map}, {transform_indices = #map1}, {transform_indices = #map}, {transform_indices = #map}]} {
    %mul3A = arith.constant 2 : i32
    %mul3A_0 = arith.muli %arg1, %mul3A : i32
    %add3A = arith.addi %mul3A_0, %arg0 : i32
    %mul3A_1 = arith.constant 512 : i32
    %mul3A_2 = arith.muli %add3A, %mul3A_1 : i32
    "tpu.region"() ({
      %run_scoped3A = tpu.sem_alloc : memref<!tpu.dma_semaphore, #tpu.memory_space<semaphore_mem>>
      %dma_start3A_161 = tpu.memref_slice %arg4[%mul3A_2] : memref<16384xi32, #tpu.memory_space<hbm>> -> memref<512xi32, #tpu.memory_space<hbm>>
      %dma_start3A_162 = tpu.memref_slice %arg4[%mul3A_2] : memref<16384xi32, #tpu.memory_space<hbm>> -> memref<512xi32, #tpu.memory_space<hbm>>
      tpu.enqueue_dma source(%dma_start3A_162 : memref<512xi32, #tpu.memory_space<hbm>>) target(%arg7 : memref<512xi32, #tpu.memory_space<vmem>>) target_semaphore(%run_scoped3A : memref<!tpu.dma_semaphore, #tpu.memory_space<semaphore_mem>>)
      %dma_wait3A_163 = tpu.memref_slice %arg4[%mul3A_2] : memref<16384xi32, #tpu.memory_space<hbm>> -> memref<512xi32, #tpu.memory_space<hbm>>
      %dma_wait3A_164 = tpu.memref_slice %arg4[%mul3A_2] : memref<16384xi32, #tpu.memory_space<hbm>> -> memref<512xi32, #tpu.memory_space<hbm>>
      tpu.wait_dma2 semaphore(%run_scoped3A : memref<!tpu.dma_semaphore, #tpu.memory_space<semaphore_mem>>) src(%dma_wait3A_164 : memref<512xi32, #tpu.memory_space<hbm>>) dst(%arg7 : memref<512xi32, #tpu.memory_space<vmem>>)
      tpu.yield
    }) : () -> ()
    %dma_start3A = arith.constant 0 : i32
    %dma_start3A_3 = tpu.memref_slice %arg7[%dma_start3A] : memref<512xi32, #tpu.memory_space<vmem>> -> memref<128xi32, #tpu.memory_space<vmem>>
    %dma_start3A_4 = arith.constant 0 : i32
    %dma_start3A_5 = arith.constant 0 : i32
    %dma_start3A_6 = tpu.memref_slice %arg2[%dma_start3A_4, %dma_start3A_5] : memref<100000x128xf32, #tpu.memory_space<hbm>> -> memref<100000x128xf32, #tpu.memory_space<hbm>>
    tpu.enqueue_indirect_dma source(%dma_start3A_6 : memref<100000x128xf32, #tpu.memory_space<hbm>>) target(%arg8 : memref<128x128xf32, #tpu.memory_space<vmem>>) offsets(%dma_start3A_3 : memref<128xi32, #tpu.memory_space<vmem>>) semaphore(%arg14 : memref<!tpu.dma_semaphore, #tpu.memory_space<semaphore_mem>>)
    %dma_start3A_7 = arith.constant 128 : i32
    %dma_start3A_8 = tpu.memref_slice %arg7[%dma_start3A_7] : memref<512xi32, #tpu.memory_space<vmem>> -> memref<128xi32, #tpu.memory_space<vmem>>
    %dma_start3A_9 = arith.constant 0 : i32
    %dma_start3A_10 = arith.constant 0 : i32
    %dma_start3A_11 = tpu.memref_slice %arg2[%dma_start3A_9, %dma_start3A_10] : memref<100000x128xf32, #tpu.memory_space<hbm>> -> memref<100000x128xf32, #tpu.memory_space<hbm>>
    tpu.enqueue_indirect_dma source(%dma_start3A_11 : memref<100000x128xf32, #tpu.memory_space<hbm>>) target(%arg9 : memref<128x128xf32, #tpu.memory_space<vmem>>) offsets(%dma_start3A_8 : memref<128xi32, #tpu.memory_space<vmem>>) semaphore(%arg15 : memref<!tpu.dma_semaphore, #tpu.memory_space<semaphore_mem>>)
    %dma_start3A_12 = arith.constant 256 : i32
    %dma_start3A_13 = tpu.memref_slice %arg7[%dma_start3A_12] : memref<512xi32, #tpu.memory_space<vmem>> -> memref<128xi32, #tpu.memory_space<vmem>>
    %dma_start3A_14 = arith.constant 0 : i32
    %dma_start3A_15 = arith.constant 0 : i32
    %dma_start3A_16 = tpu.memref_slice %arg2[%dma_start3A_14, %dma_start3A_15] : memref<100000x128xf32, #tpu.memory_space<hbm>> -> memref<100000x128xf32, #tpu.memory_space<hbm>>
    tpu.enqueue_indirect_dma source(%dma_start3A_16 : memref<100000x128xf32, #tpu.memory_space<hbm>>) target(%arg10 : memref<128x128xf32, #tpu.memory_space<vmem>>) offsets(%dma_start3A_13 : memref<128xi32, #tpu.memory_space<vmem>>) semaphore(%arg16 : memref<!tpu.dma_semaphore, #tpu.memory_space<semaphore_mem>>)
    %dma_start3A_17 = arith.constant 384 : i32
    %dma_start3A_18 = tpu.memref_slice %arg7[%dma_start3A_17] : memref<512xi32, #tpu.memory_space<vmem>> -> memref<128xi32, #tpu.memory_space<vmem>>
    %dma_start3A_19 = arith.constant 0 : i32
    %dma_start3A_20 = arith.constant 0 : i32
    %dma_start3A_21 = tpu.memref_slice %arg2[%dma_start3A_19, %dma_start3A_20] : memref<100000x128xf32, #tpu.memory_space<hbm>> -> memref<100000x128xf32, #tpu.memory_space<hbm>>
    tpu.enqueue_indirect_dma source(%dma_start3A_21 : memref<100000x128xf32, #tpu.memory_space<hbm>>) target(%arg11 : memref<128x128xf32, #tpu.memory_space<vmem>>) offsets(%dma_start3A_18 : memref<128xi32, #tpu.memory_space<vmem>>) semaphore(%arg17 : memref<!tpu.dma_semaphore, #tpu.memory_space<semaphore_mem>>)
    %dma_start3A_22 = arith.constant 0 : i32
    %dma_start3A_23 = tpu.memref_slice %arg7[%dma_start3A_22] : memref<512xi32, #tpu.memory_space<vmem>> -> memref<128xi32, #tpu.memory_space<vmem>>
    %dma_start3A_24 = arith.constant 0 : i32
    %dma_start3A_25 = arith.constant 0 : i32
    %dma_start3A_26 = tpu.memref_slice %arg3[%dma_start3A_24, %dma_start3A_25] : memref<100000x128xf32, #tpu.memory_space<hbm>> -> memref<100000x128xf32, #tpu.memory_space<hbm>>
    tpu.enqueue_indirect_dma source(%dma_start3A_26 : memref<100000x128xf32, #tpu.memory_space<hbm>>) target(%arg12 : memref<128x128xf32, #tpu.memory_space<vmem>>) offsets(%dma_start3A_23 : memref<128xi32, #tpu.memory_space<vmem>>) semaphore(%arg18 : memref<!tpu.dma_semaphore, #tpu.memory_space<semaphore_mem>>)
    %dma_start3A_27 = arith.constant 128 : i32
    %dma_start3A_28 = tpu.memref_slice %arg7[%dma_start3A_27] : memref<512xi32, #tpu.memory_space<vmem>> -> memref<128xi32, #tpu.memory_space<vmem>>
    %dma_start3A_29 = arith.constant 0 : i32
    %dma_start3A_30 = arith.constant 0 : i32
    %dma_start3A_31 = tpu.memref_slice %arg3[%dma_start3A_29, %dma_start3A_30] : memref<100000x128xf32, #tpu.memory_space<hbm>> -> memref<100000x128xf32, #tpu.memory_space<hbm>>
    tpu.enqueue_indirect_dma source(%dma_start3A_31 : memref<100000x128xf32, #tpu.memory_space<hbm>>) target(%arg13 : memref<128x128xf32, #tpu.memory_space<vmem>>) offsets(%dma_start3A_28 : memref<128xi32, #tpu.memory_space<vmem>>) semaphore(%arg19 : memref<!tpu.dma_semaphore, #tpu.memory_space<semaphore_mem>>)
    %dma_wait3A = arith.constant 0 : i32
    %dma_wait3A_32 = tpu.memref_slice %arg7[%dma_wait3A] : memref<512xi32, #tpu.memory_space<vmem>> -> memref<128xi32, #tpu.memory_space<vmem>>
    %dma_wait3A_33 = arith.constant 0 : i32
    %dma_wait3A_34 = arith.constant 0 : i32
    %dma_wait3A_35 = tpu.memref_slice %arg2[%dma_wait3A_33, %dma_wait3A_34] : memref<100000x128xf32, #tpu.memory_space<hbm>> -> memref<100000x128xf32, #tpu.memory_space<hbm>>
    tpu.wait_indirect_dma semaphore(%arg14 : memref<!tpu.dma_semaphore, #tpu.memory_space<semaphore_mem>>) src(%dma_wait3A_35 : memref<100000x128xf32, #tpu.memory_space<hbm>>) dst(%arg8 : memref<128x128xf32, #tpu.memory_space<vmem>>)
    %add3A_36 = arith.constant 0 : i32
    %add3A_37 = arith.addi %mul3A_2, %add3A_36 : i32
    %dma_start3A_38 = arith.constant 0 : i32
    %dma_start3A_39 = tpu.memref_slice %arg5[%add3A_37, %dma_start3A_38] : memref<16384x128xf32, #tpu.memory_space<hbm>> -> memref<128x128xf32, #tpu.memory_space<hbm>>
    %dma_start3A_40 = arith.constant 0 : i32
    %dma_start3A_41 = tpu.memref_slice %arg5[%add3A_37, %dma_start3A_40] : memref<16384x128xf32, #tpu.memory_space<hbm>> -> memref<128x128xf32, #tpu.memory_space<hbm>>
    tpu.enqueue_dma source(%arg8 : memref<128x128xf32, #tpu.memory_space<vmem>>) target(%dma_start3A_41 : memref<128x128xf32, #tpu.memory_space<hbm>>) target_semaphore(%arg20 : memref<!tpu.dma_semaphore, #tpu.memory_space<semaphore_mem>>)
    %dma_wait3A_42 = arith.constant 0 : i32
    %dma_wait3A_43 = tpu.memref_slice %arg5[%add3A_37, %dma_wait3A_42] : memref<16384x128xf32, #tpu.memory_space<hbm>> -> memref<128x128xf32, #tpu.memory_space<hbm>>
    %dma_wait3A_44 = arith.constant 0 : i32
    %dma_wait3A_45 = tpu.memref_slice %arg5[%add3A_37, %dma_wait3A_44] : memref<16384x128xf32, #tpu.memory_space<hbm>> -> memref<128x128xf32, #tpu.memory_space<hbm>>
    tpu.wait_dma2 semaphore(%arg20 : memref<!tpu.dma_semaphore, #tpu.memory_space<semaphore_mem>>) src(%arg8 : memref<128x128xf32, #tpu.memory_space<vmem>>) dst(%dma_wait3A_45 : memref<128x128xf32, #tpu.memory_space<hbm>>)
    %dma_start3A_46 = arith.constant 256 : i32
    %dma_start3A_47 = tpu.memref_slice %arg7[%dma_start3A_46] : memref<512xi32, #tpu.memory_space<vmem>> -> memref<128xi32, #tpu.memory_space<vmem>>
    %dma_start3A_48 = arith.constant 0 : i32
    %dma_start3A_49 = arith.constant 0 : i32
    %dma_start3A_50 = tpu.memref_slice %arg3[%dma_start3A_48, %dma_start3A_49] : memref<100000x128xf32, #tpu.memory_space<hbm>> -> memref<100000x128xf32, #tpu.memory_space<hbm>>
    tpu.enqueue_indirect_dma source(%dma_start3A_50 : memref<100000x128xf32, #tpu.memory_space<hbm>>) target(%arg8 : memref<128x128xf32, #tpu.memory_space<vmem>>) offsets(%dma_start3A_47 : memref<128xi32, #tpu.memory_space<vmem>>) semaphore(%arg14 : memref<!tpu.dma_semaphore, #tpu.memory_space<semaphore_mem>>)
    %dma_wait3A_51 = arith.constant 128 : i32
    %dma_wait3A_52 = tpu.memref_slice %arg7[%dma_wait3A_51] : memref<512xi32, #tpu.memory_space<vmem>> -> memref<128xi32, #tpu.memory_space<vmem>>
    %dma_wait3A_53 = arith.constant 0 : i32
    %dma_wait3A_54 = arith.constant 0 : i32
    %dma_wait3A_55 = tpu.memref_slice %arg2[%dma_wait3A_53, %dma_wait3A_54] : memref<100000x128xf32, #tpu.memory_space<hbm>> -> memref<100000x128xf32, #tpu.memory_space<hbm>>
    tpu.wait_indirect_dma semaphore(%arg15 : memref<!tpu.dma_semaphore, #tpu.memory_space<semaphore_mem>>) src(%dma_wait3A_55 : memref<100000x128xf32, #tpu.memory_space<hbm>>) dst(%arg9 : memref<128x128xf32, #tpu.memory_space<vmem>>)
    %add3A_56 = arith.constant 128 : i32
    %add3A_57 = arith.addi %mul3A_2, %add3A_56 : i32
    %dma_start3A_58 = arith.constant 0 : i32
    %dma_start3A_59 = tpu.memref_slice %arg5[%add3A_57, %dma_start3A_58] : memref<16384x128xf32, #tpu.memory_space<hbm>> -> memref<128x128xf32, #tpu.memory_space<hbm>>
    %dma_start3A_60 = arith.constant 0 : i32
    %dma_start3A_61 = tpu.memref_slice %arg5[%add3A_57, %dma_start3A_60] : memref<16384x128xf32, #tpu.memory_space<hbm>> -> memref<128x128xf32, #tpu.memory_space<hbm>>
    tpu.enqueue_dma source(%arg9 : memref<128x128xf32, #tpu.memory_space<vmem>>) target(%dma_start3A_61 : memref<128x128xf32, #tpu.memory_space<hbm>>) target_semaphore(%arg21 : memref<!tpu.dma_semaphore, #tpu.memory_space<semaphore_mem>>)
    %dma_wait3A_62 = arith.constant 0 : i32
    %dma_wait3A_63 = tpu.memref_slice %arg5[%add3A_57, %dma_wait3A_62] : memref<16384x128xf32, #tpu.memory_space<hbm>> -> memref<128x128xf32, #tpu.memory_space<hbm>>
    %dma_wait3A_64 = arith.constant 0 : i32
    %dma_wait3A_65 = tpu.memref_slice %arg5[%add3A_57, %dma_wait3A_64] : memref<16384x128xf32, #tpu.memory_space<hbm>> -> memref<128x128xf32, #tpu.memory_space<hbm>>
    tpu.wait_dma2 semaphore(%arg21 : memref<!tpu.dma_semaphore, #tpu.memory_space<semaphore_mem>>) src(%arg9 : memref<128x128xf32, #tpu.memory_space<vmem>>) dst(%dma_wait3A_65 : memref<128x128xf32, #tpu.memory_space<hbm>>)
    %dma_start3A_66 = arith.constant 384 : i32
    %dma_start3A_67 = tpu.memref_slice %arg7[%dma_start3A_66] : memref<512xi32, #tpu.memory_space<vmem>> -> memref<128xi32, #tpu.memory_space<vmem>>
    %dma_start3A_68 = arith.constant 0 : i32
    %dma_start3A_69 = arith.constant 0 : i32
    %dma_start3A_70 = tpu.memref_slice %arg3[%dma_start3A_68, %dma_start3A_69] : memref<100000x128xf32, #tpu.memory_space<hbm>> -> memref<100000x128xf32, #tpu.memory_space<hbm>>
    tpu.enqueue_indirect_dma source(%dma_start3A_70 : memref<100000x128xf32, #tpu.memory_space<hbm>>) target(%arg9 : memref<128x128xf32, #tpu.memory_space<vmem>>) offsets(%dma_start3A_67 : memref<128xi32, #tpu.memory_space<vmem>>) semaphore(%arg15 : memref<!tpu.dma_semaphore, #tpu.memory_space<semaphore_mem>>)
    %dma_wait3A_71 = arith.constant 256 : i32
    %dma_wait3A_72 = tpu.memref_slice %arg7[%dma_wait3A_71] : memref<512xi32, #tpu.memory_space<vmem>> -> memref<128xi32, #tpu.memory_space<vmem>>
    %dma_wait3A_73 = arith.constant 0 : i32
    %dma_wait3A_74 = arith.constant 0 : i32
    %dma_wait3A_75 = tpu.memref_slice %arg2[%dma_wait3A_73, %dma_wait3A_74] : memref<100000x128xf32, #tpu.memory_space<hbm>> -> memref<100000x128xf32, #tpu.memory_space<hbm>>
    tpu.wait_indirect_dma semaphore(%arg16 : memref<!tpu.dma_semaphore, #tpu.memory_space<semaphore_mem>>) src(%dma_wait3A_75 : memref<100000x128xf32, #tpu.memory_space<hbm>>) dst(%arg10 : memref<128x128xf32, #tpu.memory_space<vmem>>)
    %add3A_76 = arith.constant 256 : i32
    %add3A_77 = arith.addi %mul3A_2, %add3A_76 : i32
    %dma_start3A_78 = arith.constant 0 : i32
    %dma_start3A_79 = tpu.memref_slice %arg5[%add3A_77, %dma_start3A_78] : memref<16384x128xf32, #tpu.memory_space<hbm>> -> memref<128x128xf32, #tpu.memory_space<hbm>>
    %dma_start3A_80 = arith.constant 0 : i32
    %dma_start3A_81 = tpu.memref_slice %arg5[%add3A_77, %dma_start3A_80] : memref<16384x128xf32, #tpu.memory_space<hbm>> -> memref<128x128xf32, #tpu.memory_space<hbm>>
    tpu.enqueue_dma source(%arg10 : memref<128x128xf32, #tpu.memory_space<vmem>>) target(%dma_start3A_81 : memref<128x128xf32, #tpu.memory_space<hbm>>) target_semaphore(%arg22 : memref<!tpu.dma_semaphore, #tpu.memory_space<semaphore_mem>>)
    %dma_wait3A_82 = arith.constant 384 : i32
    %dma_wait3A_83 = tpu.memref_slice %arg7[%dma_wait3A_82] : memref<512xi32, #tpu.memory_space<vmem>> -> memref<128xi32, #tpu.memory_space<vmem>>
    %dma_wait3A_84 = arith.constant 0 : i32
    %dma_wait3A_85 = arith.constant 0 : i32
    %dma_wait3A_86 = tpu.memref_slice %arg2[%dma_wait3A_84, %dma_wait3A_85] : memref<100000x128xf32, #tpu.memory_space<hbm>> -> memref<100000x128xf32, #tpu.memory_space<hbm>>
    tpu.wait_indirect_dma semaphore(%arg17 : memref<!tpu.dma_semaphore, #tpu.memory_space<semaphore_mem>>) src(%dma_wait3A_86 : memref<100000x128xf32, #tpu.memory_space<hbm>>) dst(%arg11 : memref<128x128xf32, #tpu.memory_space<vmem>>)
    %add3A_87 = arith.constant 384 : i32
    %add3A_88 = arith.addi %mul3A_2, %add3A_87 : i32
    %dma_start3A_89 = arith.constant 0 : i32
    %dma_start3A_90 = tpu.memref_slice %arg5[%add3A_88, %dma_start3A_89] : memref<16384x128xf32, #tpu.memory_space<hbm>> -> memref<128x128xf32, #tpu.memory_space<hbm>>
    %dma_start3A_91 = arith.constant 0 : i32
    %dma_start3A_92 = tpu.memref_slice %arg5[%add3A_88, %dma_start3A_91] : memref<16384x128xf32, #tpu.memory_space<hbm>> -> memref<128x128xf32, #tpu.memory_space<hbm>>
    tpu.enqueue_dma source(%arg11 : memref<128x128xf32, #tpu.memory_space<vmem>>) target(%dma_start3A_92 : memref<128x128xf32, #tpu.memory_space<hbm>>) target_semaphore(%arg23 : memref<!tpu.dma_semaphore, #tpu.memory_space<semaphore_mem>>)
    %dma_wait3A_93 = arith.constant 0 : i32
    %dma_wait3A_94 = tpu.memref_slice %arg7[%dma_wait3A_93] : memref<512xi32, #tpu.memory_space<vmem>> -> memref<128xi32, #tpu.memory_space<vmem>>
    %dma_wait3A_95 = arith.constant 0 : i32
    %dma_wait3A_96 = arith.constant 0 : i32
    %dma_wait3A_97 = tpu.memref_slice %arg3[%dma_wait3A_95, %dma_wait3A_96] : memref<100000x128xf32, #tpu.memory_space<hbm>> -> memref<100000x128xf32, #tpu.memory_space<hbm>>
    tpu.wait_indirect_dma semaphore(%arg18 : memref<!tpu.dma_semaphore, #tpu.memory_space<semaphore_mem>>) src(%dma_wait3A_97 : memref<100000x128xf32, #tpu.memory_space<hbm>>) dst(%arg12 : memref<128x128xf32, #tpu.memory_space<vmem>>)
    %add3A_98 = arith.constant 0 : i32
    %add3A_99 = arith.addi %mul3A_2, %add3A_98 : i32
    %dma_start3A_100 = arith.constant 0 : i32
    %dma_start3A_101 = tpu.memref_slice %arg6[%add3A_99, %dma_start3A_100] : memref<16384x128xf32, #tpu.memory_space<hbm>> -> memref<128x128xf32, #tpu.memory_space<hbm>>
    %dma_start3A_102 = arith.constant 0 : i32
    %dma_start3A_103 = tpu.memref_slice %arg6[%add3A_99, %dma_start3A_102] : memref<16384x128xf32, #tpu.memory_space<hbm>> -> memref<128x128xf32, #tpu.memory_space<hbm>>
    tpu.enqueue_dma source(%arg12 : memref<128x128xf32, #tpu.memory_space<vmem>>) target(%dma_start3A_103 : memref<128x128xf32, #tpu.memory_space<hbm>>) target_semaphore(%arg24 : memref<!tpu.dma_semaphore, #tpu.memory_space<semaphore_mem>>)
    %dma_wait3A_104 = arith.constant 128 : i32
    %dma_wait3A_105 = tpu.memref_slice %arg7[%dma_wait3A_104] : memref<512xi32, #tpu.memory_space<vmem>> -> memref<128xi32, #tpu.memory_space<vmem>>
    %dma_wait3A_106 = arith.constant 0 : i32
    %dma_wait3A_107 = arith.constant 0 : i32
    %dma_wait3A_108 = tpu.memref_slice %arg3[%dma_wait3A_106, %dma_wait3A_107] : memref<100000x128xf32, #tpu.memory_space<hbm>> -> memref<100000x128xf32, #tpu.memory_space<hbm>>
    tpu.wait_indirect_dma semaphore(%arg19 : memref<!tpu.dma_semaphore, #tpu.memory_space<semaphore_mem>>) src(%dma_wait3A_108 : memref<100000x128xf32, #tpu.memory_space<hbm>>) dst(%arg13 : memref<128x128xf32, #tpu.memory_space<vmem>>)
    %add3A_109 = arith.constant 128 : i32
    %add3A_110 = arith.addi %mul3A_2, %add3A_109 : i32
    %dma_start3A_111 = arith.constant 0 : i32
    %dma_start3A_112 = tpu.memref_slice %arg6[%add3A_110, %dma_start3A_111] : memref<16384x128xf32, #tpu.memory_space<hbm>> -> memref<128x128xf32, #tpu.memory_space<hbm>>
    %dma_start3A_113 = arith.constant 0 : i32
    %dma_start3A_114 = tpu.memref_slice %arg6[%add3A_110, %dma_start3A_113] : memref<16384x128xf32, #tpu.memory_space<hbm>> -> memref<128x128xf32, #tpu.memory_space<hbm>>
    tpu.enqueue_dma source(%arg13 : memref<128x128xf32, #tpu.memory_space<vmem>>) target(%dma_start3A_114 : memref<128x128xf32, #tpu.memory_space<hbm>>) target_semaphore(%arg25 : memref<!tpu.dma_semaphore, #tpu.memory_space<semaphore_mem>>)
    %dma_wait3A_115 = arith.constant 256 : i32
    %dma_wait3A_116 = tpu.memref_slice %arg7[%dma_wait3A_115] : memref<512xi32, #tpu.memory_space<vmem>> -> memref<128xi32, #tpu.memory_space<vmem>>
    %dma_wait3A_117 = arith.constant 0 : i32
    %dma_wait3A_118 = arith.constant 0 : i32
    %dma_wait3A_119 = tpu.memref_slice %arg3[%dma_wait3A_117, %dma_wait3A_118] : memref<100000x128xf32, #tpu.memory_space<hbm>> -> memref<100000x128xf32, #tpu.memory_space<hbm>>
    tpu.wait_indirect_dma semaphore(%arg14 : memref<!tpu.dma_semaphore, #tpu.memory_space<semaphore_mem>>) src(%dma_wait3A_119 : memref<100000x128xf32, #tpu.memory_space<hbm>>) dst(%arg8 : memref<128x128xf32, #tpu.memory_space<vmem>>)
    %add3A_120 = arith.constant 256 : i32
    %add3A_121 = arith.addi %mul3A_2, %add3A_120 : i32
    %dma_start3A_122 = arith.constant 0 : i32
    %dma_start3A_123 = tpu.memref_slice %arg6[%add3A_121, %dma_start3A_122] : memref<16384x128xf32, #tpu.memory_space<hbm>> -> memref<128x128xf32, #tpu.memory_space<hbm>>
    %dma_start3A_124 = arith.constant 0 : i32
    %dma_start3A_125 = tpu.memref_slice %arg6[%add3A_121, %dma_start3A_124] : memref<16384x128xf32, #tpu.memory_space<hbm>> -> memref<128x128xf32, #tpu.memory_space<hbm>>
    tpu.enqueue_dma source(%arg8 : memref<128x128xf32, #tpu.memory_space<vmem>>) target(%dma_start3A_125 : memref<128x128xf32, #tpu.memory_space<hbm>>) target_semaphore(%arg20 : memref<!tpu.dma_semaphore, #tpu.memory_space<semaphore_mem>>)
    %dma_wait3A_126 = arith.constant 384 : i32
    %dma_wait3A_127 = tpu.memref_slice %arg7[%dma_wait3A_126] : memref<512xi32, #tpu.memory_space<vmem>> -> memref<128xi32, #tpu.memory_space<vmem>>
    %dma_wait3A_128 = arith.constant 0 : i32
    %dma_wait3A_129 = arith.constant 0 : i32
    %dma_wait3A_130 = tpu.memref_slice %arg3[%dma_wait3A_128, %dma_wait3A_129] : memref<100000x128xf32, #tpu.memory_space<hbm>> -> memref<100000x128xf32, #tpu.memory_space<hbm>>
    tpu.wait_indirect_dma semaphore(%arg15 : memref<!tpu.dma_semaphore, #tpu.memory_space<semaphore_mem>>) src(%dma_wait3A_130 : memref<100000x128xf32, #tpu.memory_space<hbm>>) dst(%arg9 : memref<128x128xf32, #tpu.memory_space<vmem>>)
    %add3A_131 = arith.constant 384 : i32
    %add3A_132 = arith.addi %mul3A_2, %add3A_131 : i32
    %dma_start3A_133 = arith.constant 0 : i32
    %dma_start3A_134 = tpu.memref_slice %arg6[%add3A_132, %dma_start3A_133] : memref<16384x128xf32, #tpu.memory_space<hbm>> -> memref<128x128xf32, #tpu.memory_space<hbm>>
    %dma_start3A_135 = arith.constant 0 : i32
    %dma_start3A_136 = tpu.memref_slice %arg6[%add3A_132, %dma_start3A_135] : memref<16384x128xf32, #tpu.memory_space<hbm>> -> memref<128x128xf32, #tpu.memory_space<hbm>>
    tpu.enqueue_dma source(%arg9 : memref<128x128xf32, #tpu.memory_space<vmem>>) target(%dma_start3A_136 : memref<128x128xf32, #tpu.memory_space<hbm>>) target_semaphore(%arg21 : memref<!tpu.dma_semaphore, #tpu.memory_space<semaphore_mem>>)
    %dma_wait3A_137 = arith.constant 0 : i32
    %dma_wait3A_138 = tpu.memref_slice %arg5[%add3A_77, %dma_wait3A_137] : memref<16384x128xf32, #tpu.memory_space<hbm>> -> memref<128x128xf32, #tpu.memory_space<hbm>>
    %dma_wait3A_139 = arith.constant 0 : i32
    %dma_wait3A_140 = tpu.memref_slice %arg5[%add3A_77, %dma_wait3A_139] : memref<16384x128xf32, #tpu.memory_space<hbm>> -> memref<128x128xf32, #tpu.memory_space<hbm>>
    tpu.wait_dma2 semaphore(%arg22 : memref<!tpu.dma_semaphore, #tpu.memory_space<semaphore_mem>>) src(%arg10 : memref<128x128xf32, #tpu.memory_space<vmem>>) dst(%dma_wait3A_140 : memref<128x128xf32, #tpu.memory_space<hbm>>)
    %dma_wait3A_141 = arith.constant 0 : i32
    %dma_wait3A_142 = tpu.memref_slice %arg5[%add3A_88, %dma_wait3A_141] : memref<16384x128xf32, #tpu.memory_space<hbm>> -> memref<128x128xf32, #tpu.memory_space<hbm>>
    %dma_wait3A_143 = arith.constant 0 : i32
    %dma_wait3A_144 = tpu.memref_slice %arg5[%add3A_88, %dma_wait3A_143] : memref<16384x128xf32, #tpu.memory_space<hbm>> -> memref<128x128xf32, #tpu.memory_space<hbm>>
    tpu.wait_dma2 semaphore(%arg23 : memref<!tpu.dma_semaphore, #tpu.memory_space<semaphore_mem>>) src(%arg11 : memref<128x128xf32, #tpu.memory_space<vmem>>) dst(%dma_wait3A_144 : memref<128x128xf32, #tpu.memory_space<hbm>>)
    %dma_wait3A_145 = arith.constant 0 : i32
    %dma_wait3A_146 = tpu.memref_slice %arg6[%add3A_99, %dma_wait3A_145] : memref<16384x128xf32, #tpu.memory_space<hbm>> -> memref<128x128xf32, #tpu.memory_space<hbm>>
    %dma_wait3A_147 = arith.constant 0 : i32
    %dma_wait3A_148 = tpu.memref_slice %arg6[%add3A_99, %dma_wait3A_147] : memref<16384x128xf32, #tpu.memory_space<hbm>> -> memref<128x128xf32, #tpu.memory_space<hbm>>
    tpu.wait_dma2 semaphore(%arg24 : memref<!tpu.dma_semaphore, #tpu.memory_space<semaphore_mem>>) src(%arg12 : memref<128x128xf32, #tpu.memory_space<vmem>>) dst(%dma_wait3A_148 : memref<128x128xf32, #tpu.memory_space<hbm>>)
    %dma_wait3A_149 = arith.constant 0 : i32
    %dma_wait3A_150 = tpu.memref_slice %arg6[%add3A_110, %dma_wait3A_149] : memref<16384x128xf32, #tpu.memory_space<hbm>> -> memref<128x128xf32, #tpu.memory_space<hbm>>
    %dma_wait3A_151 = arith.constant 0 : i32
    %dma_wait3A_152 = tpu.memref_slice %arg6[%add3A_110, %dma_wait3A_151] : memref<16384x128xf32, #tpu.memory_space<hbm>> -> memref<128x128xf32, #tpu.memory_space<hbm>>
    tpu.wait_dma2 semaphore(%arg25 : memref<!tpu.dma_semaphore, #tpu.memory_space<semaphore_mem>>) src(%arg13 : memref<128x128xf32, #tpu.memory_space<vmem>>) dst(%dma_wait3A_152 : memref<128x128xf32, #tpu.memory_space<hbm>>)
    %dma_wait3A_153 = arith.constant 0 : i32
    %dma_wait3A_154 = tpu.memref_slice %arg6[%add3A_121, %dma_wait3A_153] : memref<16384x128xf32, #tpu.memory_space<hbm>> -> memref<128x128xf32, #tpu.memory_space<hbm>>
    %dma_wait3A_155 = arith.constant 0 : i32
    %dma_wait3A_156 = tpu.memref_slice %arg6[%add3A_121, %dma_wait3A_155] : memref<16384x128xf32, #tpu.memory_space<hbm>> -> memref<128x128xf32, #tpu.memory_space<hbm>>
    tpu.wait_dma2 semaphore(%arg20 : memref<!tpu.dma_semaphore, #tpu.memory_space<semaphore_mem>>) src(%arg8 : memref<128x128xf32, #tpu.memory_space<vmem>>) dst(%dma_wait3A_156 : memref<128x128xf32, #tpu.memory_space<hbm>>)
    %dma_wait3A_157 = arith.constant 0 : i32
    %dma_wait3A_158 = tpu.memref_slice %arg6[%add3A_132, %dma_wait3A_157] : memref<16384x128xf32, #tpu.memory_space<hbm>> -> memref<128x128xf32, #tpu.memory_space<hbm>>
    %dma_wait3A_159 = arith.constant 0 : i32
    %dma_wait3A_160 = tpu.memref_slice %arg6[%add3A_132, %dma_wait3A_159] : memref<16384x128xf32, #tpu.memory_space<hbm>> -> memref<128x128xf32, #tpu.memory_space<hbm>>
    tpu.wait_dma2 semaphore(%arg21 : memref<!tpu.dma_semaphore, #tpu.memory_space<semaphore_mem>>) src(%arg9 : memref<128x128xf32, #tpu.memory_space<vmem>>) dst(%dma_wait3A_160 : memref<128x128xf32, #tpu.memory_space<hbm>>)
    return
  }
}

</mosaic_0001>

<sc_bundles>
// kernel: wrapper.3.cloned.1.call-start
scs
__scs_entry_jumppad:
0x0: {  	(pc) =	sbr.rel $0x88, $3  }
0x1: {  	(tag) =	ssettag $0x0;
	lr =	simm.s32 $0x1  }
0x2: {  	[smem:$0x3F9E] =	sst lr;
	_ =	strace $0xD0000000  }
0x3: {  	_ = 	snop  }
0x4: {  	_ = 	snop  }
0x5: {  	_ = 	snop  }
0x6: {  	_ = 	snop  }
0x7: {  	_ = 	snop  }
__scs_overlays_trampoline_lowered:
0x8: {  	[smem:$0x3FAD] =	sst s0  }
0x9: {  	[smem:$0x3FAE] =	sst s1  }
0xa: {  	[smem:$0x3FAF] =	sst s2  }
0xb: {  	[smem:$0x3FB0] =	sst s3  }
0xc: {  	[smem:$0x3FB1] =	sst s4  }
0xd: {  	[smem:$0x3FB2] =	sst s5  }
0xe: {  	[smem:$0x3FB3] =	sst s6  }
0xf: {  	[smem:$0x3FB4] =	sst s7  }
0x10: {  	[smem:$0x3FB5] =	sst s8  }
0x11: {  	[smem:$0x3FB6] =	sst s9;
	s0 =	simm.s32 @!p0 $0x0  }
0x12: {  	s1 =	sld [smem:$0x3F9C];
	s0 =	simm.s32 @p0 $0x1  }
0x13: {  	[smem:$0x3FB7] =	sst s0;
	s0 =	simm.s32 @!p1 $0x0  }
0x14: {  	s2 =	sld [smem:$0x3F9B];
	s0 =	simm.s32 @p1 $0x1  }
0x15: {  	[smem:$0x3FB8] =	sst s0;
	s0 =	simm.s32 @!p2 $0x0  }
0x16: {  	s3 =	sld [smem:$0x3FDB];
	s0 =	simm.s32 @p2 $0x1  }
0x17: {  	s4 =	simm.s32 $0x1BF5;
	[smem:$0x3FBA] =	sst s0  }
0x18: {  	s0 =	sld [smem:$0x3F9D];
	_ =	swait.ge [sflag:s4], $0x0  }
0x19: {  	s7 =	sld [smem:$0x3F9E]  }
0x1a: {  	s8 =	sadd.s32 $0xFFFFE003, lr  }
0x1b: {  	s9 =	sadd.s32 $0xFFFFFEF7, lr;
	s5 =	simm.s32 $0xFFFFFFFF;
	p2 =	slt.u32 s8, $0xFFFFF086  }
0x1c: {  	p1 =	slt.u32 s9, $0xF7A;
	s5 =	simm.s32 @!p2 $0x0  }
0x1d: {  	s5 =	simm.s32 @p1 $0x1;
	p0 =	seq.s32 s7, s2  }
0x1e: {  	s7 =	smul.u32 @!p0 $0xF7A, s2;
	p2 =	seq.s32 @!p0 s5, $0x0  }
0x1f: {  	s9 =	smul.u32 $0xF7A, s1;
	s8 =	simm.s32 @!p0 $0x1BF5;
	p2 =	por !p2, p0  }
0x20: {  	[sflag:s8] =	ssyncset.s32 @!p0 $0xFFFFF086;
	s6 =	sadd.s32 @!p0 s3, s7;
	s7 =	simm.s32 @!p0 $0x108  }
0x21: {  	s3 =	sadd.s32 s3, s9;
	s6 =	sadd.s32 @!p0 $0x88, s6;
	s7 =	simm.s32 @p2 $0x1082  }
0x22: {  	[simem:s7], [sflag:s8] =	dma.local @!p0 [hbm:s6], $0xF7A  }
0x23: {  	s9 =	sor.u32 $0xD0000000, s2;
	s6 =	simm.s32 $0x108;
	_ =	swait.ge @!p0 [sflag:s8], $0x0  }
0x24: {  	s3 =	sadd.s32 $0x88, s3;
	s6 =	simm.s32 @!p1 $0x1082;
	[sflag:s4] =	ssyncset.s32 $0xFFFFF086  }
0x25: {  	[simem:s6], [sflag:s4] =	dma.local [hbm:s3], $0xF7A  }
0x26: {  	[smem:$0x3F9E] =	sst s1;
	(tag) =	ssettag s2;
	_ =	strace s9  }
0x27: {  	s1 =	sld [smem:$0x3FAE]  }
0x28: {  	s2 =	sld [smem:$0x3FAF]  }
0x29: {  	s4 =	sld [smem:$0x3FB1]  }
0x2a: {  	p0 =	seq.s32 s5, $0x0;
	s5 =	sld [smem:$0x3FB2]  }
0x2b: {  	s6 =	sld [smem:$0x3FB3]  }
0x2c: {  	s7 =	sld [smem:$0x3FB4]  }
0x2d: {  	s3 =	simm.s32 $0x108;
	s8 =	sld [smem:$0x3FB5]  }
0x2e: {  	s3 =	simm.s32 @!p0 $0x1082;
	s9 =	sld [smem:$0x3FB6]  }
0x2f: {  	lr =	sadd.s32 s0, s3;
	s0 =	sld [smem:$0x3FAD]  }
0x30: {  	s3 =	sld [smem:$0x3FB0]  }
0x31: {  	[smem:$0x3FB9] =	sst s10  }
0x32: {  	s10 =	sld [smem:$0x3FB7];
	_ =	sdelay $0x3  }
0x33: {  	p0 =	seq.s32 s10, $0x1;
	s10 =	sld [smem:$0x3FB9];
	_ =	sdelay $0x3  }
0x34: {  	[smem:$0x3FB9] =	sst s10  }
0x35: {  	s10 =	sld [smem:$0x3FB8];
	_ =	sdelay $0x3  }
0x36: {  	p1 =	seq.s32 s10, $0x1;
	s10 =	sld [smem:$0x3FB9];
	_ =	sdelay $0x3  }
0x37: {  	[smem:$0x3FB9] =	sst s10  }
0x38: {  	s10 =	sld [smem:$0x3FBA]  }
0x39: {  	_ = 	snop;
	(pc) =	sbr.ind lr, $3  }
0x3a: {  	_ = 	snop  }
0x3b: {  	_ = 	snop  }
0x3c: {  	p2 =	seq.s32 s10, $0x1;
	s10 =	sld [smem:$0x3FB9]  }
0x3d: {  	_ =	shalt  }
0x3e: {  	_ =	shalt  }
0x3f: {  	_ =	shalt  }
0x40: {  	_ =	shalt  }
0x41: {  	_ =	shalt  }
0x42: {  	_ =	shalt  }
0x43: {  	_ =	shalt  }
0x44: {  	_ =	shalt  }
0x45: {  	_ =	shalt  }
0x46: {  	_ =	shalt  }
0x47: {  	_ =	shalt  }
0x48: {  	_ =	shalt  }
0x49: {  	_ =	shalt  }
0x4a: {  	_ =	shalt  }
0x4b: {  	_ =	shalt  }
0x4c: {  	_ =	shalt  }
0x4d: {  	_ =	shalt  }
0x4e: {  	_ =	shalt  }
0x4f: {  	_ =	shalt  }
0x50: {  	_ =	shalt  }
0x51: {  	_ =	shalt  }
0x52: {  	_ =	shalt  }
0x53: {  	_ =	shalt  }
0x54: {  	_ =	shalt  }
0x55: {  	_ =	shalt  }
0x56: {  	_ =	shalt  }
0x57: {  	_ =	shalt  }
0x58: {  	_ =	shalt  }
0x59: {  	_ =	shalt  }
0x5a: {  	_ =	shalt  }
0x5b: {  	_ =	shalt  }
0x5c: {  	_ =	shalt  }
0x5d: {  	_ =	shalt  }
0x5e: {  	_ =	shalt  }
0x5f: {  	_ =	shalt  }
0x60: {  	_ =	shalt  }
0x61: {  	_ =	shalt  }
0x62: {  	_ =	shalt  }
0x63: {  	_ =	shalt  }
0x64: {  	_ =	shalt  }
0x65: {  	_ =	shalt  }
0x66: {  	_ =	shalt  }
0x67: {  	_ =	shalt  }
0x68: {  	_ =	shalt  }
0x69: {  	_ =	shalt  }
0x6a: {  	_ =	shalt  }
0x6b: {  	_ =	shalt  }
0x6c: {  	_ =	shalt  }
0x6d: {  	_ =	shalt  }
0x6e: {  	_ =	shalt  }
0x6f: {  	_ =	shalt  }
0x70: {  	_ =	shalt  }
0x71: {  	_ =	shalt  }
0x72: {  	_ =	shalt  }
0x73: {  	_ =	shalt  }
0x74: {  	_ =	shalt  }
0x75: {  	_ =	shalt  }
0x76: {  	_ =	shalt  }
0x77: {  	_ =	shalt  }
0x78: {  	_ =	shalt  }
0x79: {  	_ =	shalt  }
0x7a: {  	_ =	shalt  }
0x7b: {  	_ =	shalt  }
0x7c: {  	_ =	shalt  }
0x7d: {  	_ =	shalt  }
0x7e: {  	_ =	shalt  }
0x7f: {  	_ =	shalt  }
0x80: {  	_ =	shalt  }
0x81: {  	_ =	shalt  }
0x82: {  	_ =	shalt  }
0x83: {  	_ =	shalt  }
0x84: {  	_ =	shalt  }
0x85: {  	_ =	shalt  }
0x86: {  	_ =	shalt  }
0x87: {  	_ =	shalt  }
.Lfunc_end0:
.L_simem_size_0:
called_computation_lowered:
.L_overlay_start_0:
0x88: {  	s2 =	sld [smem:$0x3FD9]  }
0x89: {  	s3 =	sld [smem:$0x3FFE];
	_ =	sdelay $0x1  }
0x8a: {  	s1 =	srdreg.scid  }
0x8b: {  	s0 =	sand.u32 $0x1, s1  }
0x8c: {  	s15 =	sshll.u32 s0, $0xA;
	s2 =	sadd.s32 s3, s2  }
0x8d: {  	s2 =	sadd.s32 s2, s15  }
0x8e: {  	[smem:$0x3FC5] =	sst s2  }
0x8f: {  	_ = 	snop  }
0x90: {  	s2 =	sld [smem:$0x3FD0]  }
0x91: {  	s16 =	sld [smem:$0x3FC9]  }
0x92: {  	s4 =	sld [smem:$0x3FC8]  }
0x93: {  	s6 =	simm.s32 $0xA;
	s7 =	simm.s32 $0x10;
	s5 =	sld [smem:$0x3FC7]  }
0x94: {  	[smem:s7], [sflag:s6] =	dma.local [hbm:s2], $0x1  }
0x95: {  	_ =	swait.eq [sflag:s6], $0x1  }
0x96: {  	[sflag:s6] =	ssyncset.done $0x0  }
0x97: {  	s17 =	sld [smem:$0x10];
	[sflag:s6] =	ssyncadd.s32 $0xFFFFFFFF  }
0x98: {  	s18 =	sld [smem:$0x11];
	(tm) =	ssettm $0x1  }
0x99: {  	s19 =	sld [smem:$0x3FFB];
	_ =	sdelay $0x3  }
0x9a: {  	_ =	strace s19  }
0x9b: {  	s7 =	sld [smem:$0x3FFC];
	_ =	sdelay $0x3  }
0x9c: {  	_ =	strace s7  }
0x9d: {  	s7 =	sld [smem:$0x3FFD];
	_ =	sdelay $0x3  }
0x9e: {  	_ =	strace s7  }
0x9f: {  	_ =	strace $0x8FFFFFFF  }
0xa0: {  	s20 =	sld [smem:$0x3FDB];
	_ =	sdelay $0x1  }
0xa1: {  	s8 =	simm.s32 $_scs_section_size  }
0xa2: {  	s9 =	simm.s32 $_size__tile_overlayer_lowered;
	s10 =	simm.s32 $_tile_overlayer_lowered  }
0xa3: {  	s23 =	simm.s32 $0x1BFF;
	s22 =	sshll.u32 s10, $0x1;
	s7 =	sadd.s32 s8, s20  }
0xa4: {  	s11 =	simm.s32 $0x0;
	s21 =	sshll.u32 s9, $0x1;
	s9 =	sadd.s32 s22, s7  }
0xa5: {  	[timem:s11], [sflag:s23] =	dma.local [hbm:s9], s21  }
0xa6: {  	_ =	swait.ge [sflag:s23], s21  }
0xa7: {  	s8 =	ssub.s32 $0x0, s21;
	[sflag:s23] =	ssyncset.done $0x0  }
0xa8: {  	[sflag:s23] =	ssyncadd.s32 s8;
	_ =	sdelay $0x1  }
0xa9: {  	s24 =	simm.s32 $0x1B8B  }
0xaa: {  	_ =	swait.ge [sflag:s24], $0x1  }
0xab: {  	[sflag:s24] =	ssyncset.done $0x0  }
0xac: {  	s25 =	simm.s32 $0x1B8E;
	[sflag:s24] =	ssyncadd.s32 $0xFFFFFFFF  }
0xad: {  	s26 =	simm.s32 $execute0_lowered;
	[smem:$0x3FD2] =	sst s25  }
0xae: {  	s8 =	sshll.u32 s26, $0x1;
	_ =	strace $0x80000046;
	[dreg:$0x1] =	wrdreg $0xFFFFFFFF  }
0xaf: {  	s28 =	simm.s32 $_size_execute0_lowered;
	s7 =	sadd.s32 s7, s8;
	[dreg:$0x0] =	wrdreg $0x0  }
0xb0: {  	s8 =	sshll.u32 s28, $0x1;
	[dreg:$0x2] =	wrdreg s7  }
0xb1: {  	[dreg:$0x3] =	wrdreg s8  }
0xb2: {  	[dreg:$0x4] =	wrdreg $0xC0  }
0xb3: {  	_ =	task [dreg:s11], $0x5FFFF  }
0xb4: {  	[dreg:$0x1] =	wrdreg $0xFFFFFFFF  }
0xb5: {  	[dreg:$0x0] =	wrdreg $0x60  }
0xb6: {  	[dreg:$0x2] =	wrdreg s16  }
0xb7: {  	[dreg:$0x3] =	wrdreg s4  }
0xb8: {  	[dreg:$0x4] =	wrdreg s5  }
0xb9: {  	[dreg:$0x5] =	wrdreg s17  }
0xba: {  	[dreg:$0x6] =	wrdreg s18  }
0xbb: {  	[dreg:$0x7] =	wrdreg $0x9  }
0xbc: {  	_ =	task.clear_ibuf [dreg:s11], $0x8FFFF;
	_ =	strace $0x90000046  }
0xbd: {  	s29 =	simm.s32 $0x9;
	_ =	strace $0x80000048  }
0xbe: {  	_ =	swait.ge [sflag:s29], $0x1  }
0xbf: {  	[sflag:s29] =	ssyncadd.s32 $0xFFFFFFFF  }
0xc0: {  	_ =	strace $0x90000048  }
0xc1: {  	_ =	sfence  }
0xc2: {  	s30 =	sld [smem:$0x0];
	_ =	sdelay $0x2  }
0xc3: {  	s31 =	sshll.u32 s1, $0xD;
	s1 =	sshrl.u32 s1, $0x2  }
0xc4: {  	s3 =	sand.u32 $0x4000, s31;
	s1 =	sadd.s32 s1, s30  }
0xc5: {  	s0 =	sor.u32 s3, s0;
	s1 =	sshll.u32 s1, $0x11  }
0xc6: {  	s0 =	sor.u32 s1, s0  }
0xc7: {  	s0 =	sadd.s32 $0x8F2B, s0  }
0xc8: {  	[sflag:s0] =	ssyncadd.remote.s32 $0x1  }
0xc9: {  	_ =	sfence.sel $0xFFFF  }
0xca: {  	[dreg:$0x0] =	wrdreg $0xFFFFFFFF;
	(pc) =	sbr.abs _section_cstart, $3  }
0xcb: {  	[dreg:$0x1] =	wrdreg $0xFFFFFFFF  }
0xcc: {  	_ =	task.clear_ibuf [dreg:s11], $0x2FFFF;
	_ =	strace $0x9FFFFFFF  }
0xcd: {  	(tm) =	ssettm $0x7FFFFFFF  }
tec
execute0_lowered:
.L_overlay_start_1:
0x0: {  	(tag) =	ssettag $0x1  }
0x1: {  	s12 =	rddreg [dreg:$0x0]  }
0x2: {  	s3 =	rddreg [dreg:$0x1]  }
0x3: {  	s0 =	rddreg [dreg:$0x2]  }
0x4: {  	s1 =	rddreg [dreg:$0x3]  }
0x5: {  	s4 =	rddreg [dreg:$0x4]  }
0x6: {  	s2 =	srdreg.scid;
	s6 =	stileid.u32  }
0x7: {  	s31 =	simm.s32 $0xD;
	s30 =	simm.s32 $0x100;
	s25 =	simm.s32 $0x180  }
0x8: {  	s16 =	simm.s32 $0x1;
	s14 =	simm.s32 $0x2;
	s29 =	simm.s32 $0x3  }
0x9: {  	s26 =	simm.s32 $0x4;
	p0 =	por $0x0, $0x0;
	s28 =	simm.s32 $0x5  }
0xa: {  	s17 =	simm.s32 $0xA;
	s15 =	simm.s32 $0xB;
	s13 =	simm.s32 $0xC  }
0xb: {  	s5 =	sand.u32 $0x1, s2;
	s2 =	simm.s32 $0x0;
	s6 =	sshll.u32 s6, $0xA  }
0xc: {  	s7 =	sshll.u32 s5, $0x9;
	[smem:$0x7FF] =	sst s2;
	s5 =	ssub.s32 $0x2, s5  }
0xd: {  	s6 =	sor.u32 s7, s6;
	_ =	strace $0x80000047;
	s9 =	sshrl.u32 s5, $0x1  }
0xe: {  	s7 =	sshrl.u32 s6, $0x3;
	s6 =	sshll.u32 s6, $0x4;
	s23 =	ssub.s32 s5, s9  }
0xf: {  	s5 =	simm.s32 $0x7;
	s0 =	sadd.s32 s0, s7;
	s18 =	sadd.s32 s1, s6  }
0x10: {  	s19 =	sor.u32 $0x800, s6;
	s8 =	sor.u32 $0x1000, s6;
	s10 =	sor.u32 $0x1800, s6  }
0x11: {  	s11 =	sadd.s32 s4, s6;
	s24 =	smax.u32 s23, $0x1;
	[dreg:$0x6] =	wrdreg s0  }
0x12: {  	s23 =	simm.s32 $0x80;
	[dreg:$0x7] =	wrdreg s18;
	s20 =	sadd.s32 s1, s19  }
0x13: {  	s21 =	sadd.s32 s1, s8;
	s22 =	sadd.s32 s1, s10;
	s9 =	sadd.s32 s4, s19  }
0x14: {  	s7 =	sadd.s32 s4, s8;
	s6 =	sadd.s32 s4, s10;
	p1 =	sne.s32 s24, $0x1  }
.Ltmp0:
0x15: {  	s10 =	simm.s32 $0x200;
	s8 =	simm.s32 $0x4200;
	(pc) =	sbr.rel @!p1 .LBB2_3-.Ltmp0, $4  }
0x16: {  	s18 =	simm.s32 $0x14200;
	s4 =	simm.s32 $0x8;
	[dreg:$0x8] =	wrdreg s20  }
0x17: {  	s0 =	sadd.s32 $0xFFFFFFFF, s24;
	s24 =	simm.s32 $0x6;
	[dreg:$0x9] =	wrdreg s21  }
0x18: {  	s19 =	simm.s32 $0x9;
	[dreg:$0xa] =	wrdreg s22;
	s22 =	simm.s32 $0x8200  }
0x19: {  	s21 =	simm.s32 $0xC200;
	s20 =	simm.s32 $0x10200;
	s1 =	rddreg [dreg:$0x6]  }
0x1a: {  	[tilespmem:s2], [sflag:$0xD] =	stream.linear.gather [hbm4b:s1+s2], $0x200, $0x38;
	[tilespmem:$0x18200] =	vst v63  }
0x1b: {  	_ =	swait.ge [sflag:s31], $0x200  }
0x1c: {  	[sflag:s31] =	ssyncset.done $0x0  }
0x1d: {  	[sflag:s31] =	ssyncadd.s32 $0xFFFFFE00  }
0x1e: {  	[tilespmem:s10], [sflag:$0x1] =	stream.indirect.gather [hbm4b:s12+s23], $0x80, s2, s23, $0xb8;
	[tilespmem:$0x18200] =	vst v63  }
0x1f: {  	_ = 	snop  }
0x20: {  	[tilespmem:s8], [sflag:$0x2] =	stream.indirect.gather [hbm4b:s12+s23], $0x80, s23, s23, $0xb8;
	[tilespmem:$0x18200] =	vst v63  }
0x21: {  	_ = 	snop  }
0x22: {  	[tilespmem:s22], [sflag:$0x3] =	stream.indirect.gather [hbm4b:s12+s23], $0x80, s30, s23, $0xb8;
	[tilespmem:$0x18200] =	vst v63  }
0x23: {  	_ = 	snop  }
0x24: {  	[tilespmem:s21], [sflag:$0x4] =	stream.indirect.gather [hbm4b:s12+s23], $0x80, s25, s23, $0xb8;
	[tilespmem:$0x18200] =	vst v63  }
0x25: {  	_ = 	snop  }
0x26: {  	[tilespmem:s20], [sflag:$0x5] =	stream.indirect.gather [hbm4b:s3+s23], $0x80, s2, s23, $0xb8;
	[tilespmem:$0x18200] =	vst v63  }
0x27: {  	_ = 	snop  }
0x28: {  	[tilespmem:s18], [sflag:$0x6] =	stream.indirect.gather [hbm4b:s3+s23], $0x80, s23, s23, $0xb8;
	[tilespmem:$0x18200] =	vst v63  }
0x29: {  	_ =	swait.ge [sflag:s16], $0x4000  }
0x2a: {  	[sflag:s16] =	ssyncset.done $0x0  }
0x2b: {  	s1 =	rddreg [dreg:$0x7];
	[sflag:s16] =	ssyncadd.s32 $0xFFFFC000  }
0x2c: {  	[hbm4b:s1+s2] =	stream.linear.scatter [tilespmem:s10], [sflag:$0x7], $0x4000, $0x38;
	[tilespmem:$0x18200] =	vst v63  }
0x2d: {  	_ =	swait.ge [sflag:s5], $0x4000  }
0x2e: {  	[sflag:s5] =	ssyncset.done $0x0  }
0x2f: {  	[sflag:s5] =	ssyncadd.s32 $0xFFFFC000  }
0x30: {  	[tilespmem:s10], [sflag:$0x1] =	stream.indirect.gather [hbm4b:s3+s23], $0x80, s30, s23, $0xb8;
	[tilespmem:$0x18200] =	vst v63  }
0x31: {  	_ =	swait.ge [sflag:s14], $0x4000  }
0x32: {  	[sflag:s14] =	ssyncset.done $0x0  }
0x33: {  	s1 =	rddreg [dreg:$0x8];
	[sflag:s14] =	ssyncadd.s32 $0xFFFFC000  }
0x34: {  	[hbm4b:s1+s2] =	stream.linear.scatter [tilespmem:s8], [sflag:$0x8], $0x4000, $0x38;
	[tilespmem:$0x18200] =	vst v63  }
0x35: {  	_ =	swait.ge [sflag:s4], $0x4000  }
0x36: {  	[sflag:s4] =	ssyncset.done $0x0  }
0x37: {  	[sflag:s4] =	ssyncadd.s32 $0xFFFFC000  }
0x38: {  	[tilespmem:s8], [sflag:$0x2] =	stream.indirect.gather [hbm4b:s3+s23], $0x80, s25, s23, $0xb8;
	[tilespmem:$0x18200] =	vst v63  }
0x39: {  	_ =	swait.ge [sflag:s29], $0x4000  }
0x3a: {  	[sflag:s29] =	ssyncset.done $0x0  }
0x3b: {  	s1 =	rddreg [dreg:$0x9];
	[sflag:s29] =	ssyncadd.s32 $0xFFFFC000  }
0x3c: {  	[hbm4b:s1+s2] =	stream.linear.scatter [tilespmem:s22], [sflag:$0x9], $0x4000, $0x38;
	[tilespmem:$0x18200] =	vst v63  }
0x3d: {  	_ =	swait.ge [sflag:s26], $0x4000  }
0x3e: {  	[sflag:s26] =	ssyncset.done $0x0  }
0x3f: {  	s1 =	rddreg [dreg:$0xa];
	[sflag:s26] =	ssyncadd.s32 $0xFFFFC000  }
0x40: {  	[hbm4b:s1+s2] =	stream.linear.scatter [tilespmem:s21], [sflag:$0xA], $0x4000, $0x38;
	[tilespmem:$0x18200] =	vst v63  }
0x41: {  	_ =	swait.ge [sflag:s28], $0x4000  }
0x42: {  	[sflag:s28] =	ssyncset.done $0x0  }
0x43: {  	[sflag:s28] =	ssyncadd.s32 $0xFFFFC000  }
0x44: {  	[hbm4b:s11+s2] =	stream.linear.scatter [tilespmem:s20], [sflag:$0xB], $0x4000, $0x38;
	[tilespmem:$0x18200] =	vst v63  }
0x45: {  	_ =	swait.ge [sflag:s24], $0x4000  }
0x46: {  	[sflag:s24] =	ssyncset.done $0x0  }
0x47: {  	[sflag:s24] =	ssyncadd.s32 $0xFFFFC000  }
0x48: {  	[hbm4b:s9+s2] =	stream.linear.scatter [tilespmem:s18], [sflag:$0xC], $0x4000, $0x38;
	[tilespmem:$0x18200] =	vst v63  }
0x49: {  	_ =	swait.ge [sflag:s16], $0x4000  }
0x4a: {  	[sflag:s16] =	ssyncset.done $0x0  }
0x4b: {  	[sflag:s16] =	ssyncadd.s32 $0xFFFFC000  }
0x4c: {  	[hbm4b:s7+s2] =	stream.linear.scatter [tilespmem:s10], [sflag:$0x7], $0x4000, $0x38;
	[tilespmem:$0x18200] =	vst v63  }
0x4d: {  	_ =	swait.ge [sflag:s14], $0x4000  }
0x4e: {  	[sflag:s14] =	ssyncset.done $0x0  }
0x4f: {  	[sflag:s14] =	ssyncadd.s32 $0xFFFFC000  }
0x50: {  	[hbm4b:s6+s2] =	stream.linear.scatter [tilespmem:s8], [sflag:$0x8], $0x4000, $0x38;
	[tilespmem:$0x18200] =	vst v63  }
0x51: {  	_ =	swait.ge [sflag:s19], $0x4000  }
0x52: {  	[sflag:s19] =	ssyncset.done $0x0  }
0x53: {  	[sflag:s19] =	ssyncadd.s32 $0xFFFFC000  }
0x54: {  	_ =	swait.ge [sflag:s17], $0x4000  }
0x55: {  	[sflag:s17] =	ssyncset.done $0x0  }
0x56: {  	[sflag:s17] =	ssyncadd.s32 $0xFFFFC000  }
0x57: {  	_ =	swait.ge [sflag:s15], $0x4000  }
0x58: {  	[sflag:s15] =	ssyncset.done $0x0  }
0x59: {  	[sflag:s15] =	ssyncadd.s32 $0xFFFFC000  }
0x5a: {  	_ =	swait.ge [sflag:s13], $0x4000  }
0x5b: {  	[sflag:s13] =	ssyncset.done $0x0  }
0x5c: {  	p1 =	sne.s32 s0, $0x1;
	[sflag:s13] =	ssyncadd.s32 $0xFFFFC000  }
.Ltmp1:
0x5d: {  	_ =	swait.ge [sflag:s5], $0x4000;
	(pc) =	sbr.rel @!p1 .LBB2_3-.Ltmp1, $4  }
0x5e: {  	[sflag:s5] =	ssyncset.done $0x0  }
0x5f: {  	[sflag:s5] =	ssyncadd.s32 $0xFFFFC000  }
0x60: {  	s0 =	sadd.s32 $0xFFFFFFFF, s0;
	_ =	swait.ge [sflag:s4], $0x4000  }
0x61: {  	p0 =	por $0x1, $0x1;
	s1 =	rddreg [dreg:$0x6];
	[sflag:s4] =	ssyncset.done $0x0  }
.LBB2_2:
0x62: {  	[sflag:s4] =	ssyncadd.s32 $0xFFFFC000  }
0x63: {  	[tilespmem:s2], [sflag:$0xD] =	stream.linear.gather [hbm4b:s1+s2], $0x200, $0x38;
	[tilespmem:$0x18200] =	vst v63  }
0x64: {  	_ =	swait.ge [sflag:s31], $0x200  }
0x65: {  	[sflag:s31] =	ssyncset.done $0x0  }
0x66: {  	[sflag:s31] =	ssyncadd.s32 $0xFFFFFE00  }
0x67: {  	[tilespmem:s10], [sflag:$0x1] =	stream.indirect.gather [hbm4b:s12+s23], $0x80, s2, s23, $0xb8;
	[tilespmem:$0x18200] =	vst v63  }
0x68: {  	_ = 	snop  }
0x69: {  	[tilespmem:s8], [sflag:$0x2] =	stream.indirect.gather [hbm4b:s12+s23], $0x80, s23, s23, $0xb8;
	[tilespmem:$0x18200] =	vst v63  }
0x6a: {  	_ = 	snop  }
0x6b: {  	[tilespmem:s22], [sflag:$0x3] =	stream.indirect.gather [hbm4b:s12+s23], $0x80, s30, s23, $0xb8;
	[tilespmem:$0x18200] =	vst v63  }
0x6c: {  	_ = 	snop  }
0x6d: {  	[tilespmem:s21], [sflag:$0x4] =	stream.indirect.gather [hbm4b:s12+s23], $0x80, s25, s23, $0xb8;
	[tilespmem:$0x18200] =	vst v63  }
0x6e: {  	_ = 	snop  }
0x6f: {  	[tilespmem:s20], [sflag:$0x5] =	stream.indirect.gather [hbm4b:s3+s23], $0x80, s2, s23, $0xb8;
	[tilespmem:$0x18200] =	vst v63  }
0x70: {  	_ = 	snop  }
0x71: {  	[tilespmem:s18], [sflag:$0x6] =	stream.indirect.gather [hbm4b:s3+s23], $0x80, s23, s23, $0xb8;
	[tilespmem:$0x18200] =	vst v63  }
0x72: {  	_ =	swait.ge [sflag:s16], $0x4000  }
0x73: {  	[sflag:s16] =	ssyncset.done $0x0  }
0x74: {  	s1 =	rddreg [dreg:$0x7];
	[sflag:s16] =	ssyncadd.s32 $0xFFFFC000  }
0x75: {  	[hbm4b:s1+s2] =	stream.linear.scatter [tilespmem:s10], [sflag:$0x7], $0x4000, $0x38;
	[tilespmem:$0x18200] =	vst v63  }
0x76: {  	_ =	swait.ge [sflag:s5], $0x4000  }
0x77: {  	[sflag:s5] =	ssyncset.done $0x0  }
0x78: {  	[sflag:s5] =	ssyncadd.s32 $0xFFFFC000  }
0x79: {  	[tilespmem:s10], [sflag:$0x1] =	stream.indirect.gather [hbm4b:s3+s23], $0x80, s30, s23, $0xb8;
	[tilespmem:$0x18200] =	vst v63  }
0x7a: {  	_ =	swait.ge [sflag:s14], $0x4000  }
0x7b: {  	[sflag:s14] =	ssyncset.done $0x0  }
0x7c: {  	s1 =	rddreg [dreg:$0x8];
	[sflag:s14] =	ssyncadd.s32 $0xFFFFC000  }
0x7d: {  	[hbm4b:s1+s2] =	stream.linear.scatter [tilespmem:s8], [sflag:$0x8], $0x4000, $0x38;
	[tilespmem:$0x18200] =	vst v63  }
0x7e: {  	_ =	swait.ge [sflag:s4], $0x4000  }
0x7f: {  	[sflag:s4] =	ssyncset.done $0x0  }
0x80: {  	[sflag:s4] =	ssyncadd.s32 $0xFFFFC000  }
0x81: {  	[tilespmem:s8], [sflag:$0x2] =	stream.indirect.gather [hbm4b:s3+s23], $0x80, s25, s23, $0xb8;
	[tilespmem:$0x18200] =	vst v63  }
0x82: {  	_ =	swait.ge [sflag:s29], $0x4000  }
0x83: {  	[sflag:s29] =	ssyncset.done $0x0  }
0x84: {  	s1 =	rddreg [dreg:$0x9];
	[sflag:s29] =	ssyncadd.s32 $0xFFFFC000  }
0x85: {  	[hbm4b:s1+s2] =	stream.linear.scatter [tilespmem:s22], [sflag:$0x9], $0x4000, $0x38;
	[tilespmem:$0x18200] =	vst v63  }
0x86: {  	_ =	swait.ge [sflag:s26], $0x4000  }
0x87: {  	[sflag:s26] =	ssyncset.done $0x0  }
0x88: {  	s1 =	rddreg [dreg:$0xa];
	[sflag:s26] =	ssyncadd.s32 $0xFFFFC000  }
0x89: {  	[hbm4b:s1+s2] =	stream.linear.scatter [tilespmem:s21], [sflag:$0xA], $0x4000, $0x38;
	[tilespmem:$0x18200] =	vst v63  }
0x8a: {  	_ =	swait.ge [sflag:s28], $0x4000  }
0x8b: {  	[sflag:s28] =	ssyncset.done $0x0  }
0x8c: {  	[sflag:s28] =	ssyncadd.s32 $0xFFFFC000  }
0x8d: {  	[hbm4b:s11+s2] =	stream.linear.scatter [tilespmem:s20], [sflag:$0xB], $0x4000, $0x38;
	[tilespmem:$0x18200] =	vst v63  }
0x8e: {  	_ =	swait.ge [sflag:s24], $0x4000  }
0x8f: {  	[sflag:s24] =	ssyncset.done $0x0  }
0x90: {  	[sflag:s24] =	ssyncadd.s32 $0xFFFFC000  }
0x91: {  	[hbm4b:s9+s2] =	stream.linear.scatter [tilespmem:s18], [sflag:$0xC], $0x4000, $0x38;
	[tilespmem:$0x18200] =	vst v63  }
0x92: {  	_ =	swait.ge [sflag:s16], $0x4000  }
0x93: {  	[sflag:s16] =	ssyncset.done $0x0  }
0x94: {  	[sflag:s16] =	ssyncadd.s32 $0xFFFFC000  }
0x95: {  	[hbm4b:s7+s2] =	stream.linear.scatter [tilespmem:s10], [sflag:$0x7], $0x4000, $0x38;
	[tilespmem:$0x18200] =	vst v63  }
0x96: {  	_ =	swait.ge [sflag:s14], $0x4000  }
0x97: {  	[sflag:s14] =	ssyncset.done $0x0  }
0x98: {  	[sflag:s14] =	ssyncadd.s32 $0xFFFFC000  }
0x99: {  	[hbm4b:s6+s2] =	stream.linear.scatter [tilespmem:s8], [sflag:$0x8], $0x4000, $0x38;
	[tilespmem:$0x18200] =	vst v63  }
0x9a: {  	_ =	swait.ge [sflag:s19], $0x4000  }
0x9b: {  	[sflag:s19] =	ssyncset.done $0x0  }
0x9c: {  	[sflag:s19] =	ssyncadd.s32 $0xFFFFC000  }
0x9d: {  	_ =	swait.ge [sflag:s17], $0x4000  }
0x9e: {  	[sflag:s17] =	ssyncset.done $0x0  }
0x9f: {  	[sflag:s17] =	ssyncadd.s32 $0xFFFFC000  }
0xa0: {  	_ =	swait.ge [sflag:s15], $0x4000  }
0xa1: {  	[sflag:s15] =	ssyncset.done $0x0  }
0xa2: {  	[sflag:s15] =	ssyncadd.s32 $0xFFFFC000  }
0xa3: {  	_ =	swait.ge [sflag:s13], $0x4000  }
0xa4: {  	[sflag:s13] =	ssyncset.done $0x0  }
0xa5: {  	p1 =	sne.s32 s0, $0x1;
	[sflag:s13] =	ssyncadd.s32 $0xFFFFC000  }
.Ltmp2:
0xa6: {  	_ =	swait.ge [sflag:s5], $0x4000;
	(pc) =	sbr.rel @p1 .LBB2_2-.Ltmp2, $4  }
0xa7: {  	[sflag:s5] =	ssyncset.done $0x0  }
0xa8: {  	[sflag:s5] =	ssyncadd.s32 $0xFFFFC000  }
0xa9: {  	_ =	swait.ge [sflag:s4], $0x4000  }
0xaa: {  	s0 =	sadd.s32 $0xFFFFFFFF, s0;
	s1 =	rddreg [dreg:$0x6];
	[sflag:s4] =	ssyncset.done $0x0  }
.LBB2_3:
0xab: {  	[sflag:s4] =	ssyncadd.s32 @p0 $0xFFFFC000  }
0xac: {  	[tilespmem:s2], [sflag:$0xD] =	stream.linear.gather [hbm4b:s1+s2], $0x200, $0x38;
	[tilespmem:$0x18200] =	vst v63  }
0xad: {  	_ =	swait.ge [sflag:s31], $0x200  }
0xae: {  	[sflag:s31] =	ssyncset.done $0x0  }
0xaf: {  	[sflag:s31] =	ssyncadd.s32 $0xFFFFFE00  }
0xb0: {  	[tilespmem:s10], [sflag:$0x1] =	stream.indirect.gather [hbm4b:s12+s23], $0x80, s2, s23, $0xb8;
	[tilespmem:$0x18200] =	vst v63  }
0xb1: {  	_ = 	snop  }
0xb2: {  	[tilespmem:s8], [sflag:$0x2] =	stream.indirect.gather [hbm4b:s12+s23], $0x80, s23, s23, $0xb8;
	[tilespmem:$0x18200] =	vst v63  }
0xb3: {  	_ = 	snop  }
0xb4: {  	[tilespmem:s22], [sflag:$0x3] =	stream.indirect.gather [hbm4b:s12+s23], $0x80, s30, s23, $0xb8;
	[tilespmem:$0x18200] =	vst v63  }
0xb5: {  	_ = 	snop  }
0xb6: {  	[tilespmem:s21], [sflag:$0x4] =	stream.indirect.gather [hbm4b:s12+s23], $0x80, s25, s23, $0xb8;
	[tilespmem:$0x18200] =	vst v63  }
0xb7: {  	_ = 	snop  }
0xb8: {  	[tilespmem:s20], [sflag:$0x5] =	stream.indirect.gather [hbm4b:s3+s23], $0x80, s2, s23, $0xb8;
	[tilespmem:$0x18200] =	vst v63  }
0xb9: {  	_ = 	snop  }
0xba: {  	[tilespmem:s18], [sflag:$0x6] =	stream.indirect.gather [hbm4b:s3+s23], $0x80, s23, s23, $0xb8;
	[tilespmem:$0x18200] =	vst v63  }
0xbb: {  	_ =	swait.ge [sflag:s16], $0x4000  }
0xbc: {  	[sflag:s16] =	ssyncset.done $0x0  }
0xbd: {  	s0 =	rddreg [dreg:$0x7];
	[sflag:s16] =	ssyncadd.s32 $0xFFFFC000  }
0xbe: {  	[hbm4b:s0+s2] =	stream.linear.scatter [tilespmem:s10], [sflag:$0x7], $0x4000, $0x38;
	[tilespmem:$0x18200] =	vst v63  }
0xbf: {  	_ =	swait.ge [sflag:s5], $0x4000  }
0xc0: {  	[sflag:s5] =	ssyncset.done $0x0  }
0xc1: {  	[sflag:s5] =	ssyncadd.s32 $0xFFFFC000  }
0xc2: {  	[tilespmem:s10], [sflag:$0x1] =	stream.indirect.gather [hbm4b:s3+s23], $0x80, s30, s23, $0xb8;
	[tilespmem:$0x18200] =	vst v63  }
0xc3: {  	_ =	swait.ge [sflag:s14], $0x4000  }
0xc4: {  	[sflag:s14] =	ssyncset.done $0x0  }
0xc5: {  	s12 =	rddreg [dreg:$0x8];
	[sflag:s14] =	ssyncadd.s32 $0xFFFFC000  }
0xc6: {  	[hbm4b:s12+s2] =	stream.linear.scatter [tilespmem:s8], [sflag:$0x8], $0x4000, $0x38;
	[tilespmem:$0x18200] =	vst v63  }
0xc7: {  	_ =	swait.ge [sflag:s4], $0x4000  }
0xc8: {  	[sflag:s4] =	ssyncset.done $0x0  }
0xc9: {  	[sflag:s4] =	ssyncadd.s32 $0xFFFFC000  }
0xca: {  	[tilespmem:s8], [sflag:$0x2] =	stream.indirect.gather [hbm4b:s3+s23], $0x80, s25, s23, $0xb8;
	[tilespmem:$0x18200] =	vst v63  }
0xcb: {  	_ =	swait.ge [sflag:s29], $0x4000  }
0xcc: {  	[sflag:s29] =	ssyncset.done $0x0  }
0xcd: {  	s25 =	rddreg [dreg:$0x9];
	[sflag:s29] =	ssyncadd.s32 $0xFFFFC000  }
0xce: {  	[hbm4b:s25+s2] =	stream.linear.scatter [tilespmem:s22], [sflag:$0x9], $0x4000, $0x38;
	[tilespmem:$0x18200] =	vst v63  }
0xcf: {  	_ =	swait.ge [sflag:s26], $0x4000  }
0xd0: {  	[sflag:s26] =	ssyncset.done $0x0  }
0xd1: {  	s30 =	rddreg [dreg:$0xa];
	[sflag:s26] =	ssyncadd.s32 $0xFFFFC000  }
0xd2: {  	[hbm4b:s30+s2] =	stream.linear.scatter [tilespmem:s21], [sflag:$0xA], $0x4000, $0x38;
	[tilespmem:$0x18200] =	vst v63  }
0xd3: {  	_ =	swait.ge [sflag:s28], $0x4000  }
0xd4: {  	[sflag:s28] =	ssyncset.done $0x0  }
0xd5: {  	[sflag:s28] =	ssyncadd.s32 $0xFFFFC000  }
0xd6: {  	[hbm4b:s11+s2] =	stream.linear.scatter [tilespmem:s20], [sflag:$0xB], $0x4000, $0x38;
	[tilespmem:$0x18200] =	vst v63  }
0xd7: {  	_ =	swait.ge [sflag:s24], $0x4000  }
0xd8: {  	[sflag:s24] =	ssyncset.done $0x0  }
0xd9: {  	[sflag:s24] =	ssyncadd.s32 $0xFFFFC000  }
0xda: {  	[hbm4b:s9+s2] =	stream.linear.scatter [tilespmem:s18], [sflag:$0xC], $0x4000, $0x38;
	[tilespmem:$0x18200] =	vst v63  }
0xdb: {  	_ =	swait.ge [sflag:s16], $0x4000  }
0xdc: {  	[sflag:s16] =	ssyncset.done $0x0  }
0xdd: {  	[sflag:s16] =	ssyncadd.s32 $0xFFFFC000  }
0xde: {  	[hbm4b:s7+s2] =	stream.linear.scatter [tilespmem:s10], [sflag:$0x7], $0x4000, $0x38;
	[tilespmem:$0x18200] =	vst v63  }
0xdf: {  	_ =	swait.ge [sflag:s14], $0x4000  }
0xe0: {  	[sflag:s14] =	ssyncset.done $0x0  }
0xe1: {  	[sflag:s14] =	ssyncadd.s32 $0xFFFFC000  }
0xe2: {  	[hbm4b:s6+s2] =	stream.linear.scatter [tilespmem:s8], [sflag:$0x8], $0x4000, $0x38;
	[tilespmem:$0x18200] =	vst v63  }
0xe3: {  	_ =	swait.ge [sflag:s19], $0x4000  }
0xe4: {  	[sflag:s19] =	ssyncset.done $0x0  }
0xe5: {  	[sflag:s19] =	ssyncadd.s32 $0xFFFFC000  }
0xe6: {  	_ =	swait.ge [sflag:s17], $0x4000  }
0xe7: {  	[sflag:s17] =	ssyncset.done $0x0  }
0xe8: {  	[sflag:s17] =	ssyncadd.s32 $0xFFFFC000  }
0xe9: {  	_ =	swait.ge [sflag:s15], $0x4000  }
0xea: {  	[sflag:s15] =	ssyncset.done $0x0  }
0xeb: {  	[sflag:s15] =	ssyncadd.s32 $0xFFFFC000  }
0xec: {  	_ =	swait.ge [sflag:s13], $0x4000  }
0xed: {  	[sflag:s13] =	ssyncset.done $0x0  }
0xee: {  	[sflag:s13] =	ssyncadd.s32 $0xFFFFC000  }
0xef: {  	_ =	swait.ge [sflag:s5], $0x4000  }
0xf0: {  	[sflag:s5] =	ssyncset.done $0x0  }
0xf1: {  	[sflag:s5] =	ssyncadd.s32 $0xFFFFC000  }
0xf2: {  	_ =	swait.ge [sflag:s4], $0x4000  }
0xf3: {  	[sflag:s4] =	ssyncset.done $0x0  }
0xf4: {  	[sflag:s4] =	ssyncadd.s32 $0xFFFFC000  }
0xf5: {  	_ =	sfence.sel $0x180000  }
0xf6: {  	[bflag:$0x0] =	sbarrier.arrive $0xFFFF  }
0xf7: {  	_ =	strace $0x90000047  }
0xf8: {  	s31 =	stileid.u32;
	[bflag:$0x2] =	sbarrier.arrive $0xFFFF  }
0xf9: {  	p0 =	sne.s32 s31, $0x0;
	s0 =	rddreg [dreg:$0x5]  }
0xfa: {  	s0 =	sadd.s32 @!p0 $0x100000, s0  }
0xfb: {  	[sflag:s0] =	ssyncadd.tile.s32 @!p0 $0x1;
	_ =	shalt  }
.Lfunc_end2:
_tile_overlayer_lowered:
.L_overlay_start_2:
0xfc: {  	(tag) =	ssettag $0x2  }
0xfd: {  	s0 =	rddreg [dreg:$0x0];
	s2 =	stileid.u32  }
0xfe: {  	s1 =	rddreg [dreg:$0x1];
	p0 =	sne.s32 s2, $0x0  }
0xff: {  	s3 =	rddreg [dreg:$0x2];
	[bflag:$0x3] =	sbarrier.arrive $0xFFFF;
	s2 =	simm.s32 @!p0 $0x1C0D  }
0x100: {  	[timem:s3], [sflag:s2] =	dma.local @!p0 [hbm:s0], s1  }
0x101: {  	s0 =	simm.s32 @!p0 $0xD  }
0x102: {  	_ =	swait.ge @!p0 [sflag:s0], s1  }
0x103: {  	s1 =	ssub.s32 @!p0 $0x0, s1;
	[sflag:s0] =	ssyncset.done @!p0 $0x0  }
0x104: {  	[sflag:s0] =	ssyncadd.s32 @!p0 s1  }
0x105: {  	[bflag:$0x3] =	sbarrier.arrive $0xFFFF  }
0x106: {  	_ =	shalt  }

</sc_bundles>
